<compile_context>
chip_gen: v7x
topology: tpu7x:2x2x1
jax: 0.10.2.dev20260603
libtpu: 0.0.44.dev20260713+nightly
codegen_flags: <defaults>
</compile_context>

<pallas_src>
import functools

import jax
import jax.numpy as jnp
from jax import lax
from jax.experimental import pallas as pl
from jax.experimental.pallas import tpu as pltpu
from jax.experimental.pallas import tpu_sc as plsc

_N = 4096
_S = 200
_V = 100000
_NC = 2
_NS = 16
_L = 16
_NW = _NC * _NS
_ROWS = _N // _NW
_BLOCKS = _ROWS // _L
_VQ = _V // 4
_NQ = 4

_mesh = plsc.VectorSubcoreMesh(core_axis_name="c", subcore_axis_name="s")


def _bow_logits_body(x_hbm, wq_hbm, out_hbm, table_sh_a, table_sh_b,
                     table_v, idx_v, out_v, sem_x, sem_st):
    table_sh = (table_sh_a, table_sh_b)
    sid = lax.axis_index("s")
    wid = sid * _NC + lax.axis_index("c")
    base_row = wid * _ROWS
    cp_x = pltpu.make_async_copy(
        x_hbm.at[pl.ds(base_row * _S, _ROWS * _S)], idx_v, sem_x)
    cp_x.start()

    @pl.when(sid == 0)
    def _():
        pltpu.sync_copy(wq_hbm.at[0], table_sh[0])

    plsc.subcore_barrier()
    for q in range(_NQ):
        if q + 1 < _NQ:
            cp_st = pltpu.make_async_copy(
                wq_hbm.at[q + 1], table_sh[(q + 1) % 2], sem_st)

            @pl.when(sid == 0)
            def _(cp_st=cp_st):
                cp_st.start()

        pltpu.sync_copy(table_sh[q % 2], table_v.at[pl.ds(q * _VQ, _VQ)])
        if q + 1 < _NQ:
            @pl.when(sid == 0)
            def _(cp_st=cp_st):
                cp_st.wait()

            plsc.subcore_barrier()

    cp_x.wait()

    lane = lax.iota(jnp.int32, _L)
    row_offs = [(b * _L + lane) * _S for b in range(_BLOCKS)]
    zero = jnp.zeros((_L,), jnp.float32)

    @plsc.parallel_loop(0, _S, unroll=2, carry=(zero,) * _BLOCKS)
    def accs(s, acc):
        new = []
        for b in range(_BLOCKS):
            idx16 = plsc.load_gather(idx_v, [row_offs[b] + s])
            new.append(acc[b] + plsc.load_gather(table_v, [idx16]))
        return tuple(new)

    for b in range(_BLOCKS):
        out_v[pl.ds(b * _L, _L)] = accs[b]
    pltpu.sync_copy(out_v, out_hbm.at[pl.ds(base_row, _ROWS)])


_bow_logits = functools.partial(
    pl.kernel,
    mesh=_mesh,
    out_type=jax.ShapeDtypeStruct((_N,), jnp.float32),
    scratch_types=[
        pltpu.VMEM_SHARED((_VQ,), jnp.float32),
        pltpu.VMEM_SHARED((_VQ,), jnp.float32),
        pltpu.VMEM((_V,), jnp.float32),
        pltpu.VMEM((_ROWS * _S,), jnp.int32),
        pltpu.VMEM((_ROWS,), jnp.float32),
        pltpu.SemaphoreType.DMA,
        pltpu.SemaphoreType.DMA,
    ],
    compiler_params=pltpu.CompilerParams(needs_layout_passes=False),
)(_bow_logits_body)


def kernel(x, weight):
    xf = x.reshape(-1)
    wq = weight.reshape(_NQ, _VQ)
    return _bow_logits(xf, wq)

# --- scband reference (transcript-rebuilt; emitter-appended) ---
"""Pipeline reference for scband-bag-of-words-logistic-classifier-22170621182653 (READ-ONLY COPY).

The authoritative reference and input builder live on the scoring server;
editing this copy changes nothing except your own understanding.
"""

import jax, jax.numpy as jnp
import numpy as np


def setup_inputs(seed: int = 0) -> dict:
    key = jax.random.key(seed)
    k1, k2 = jax.random.split(key)
    x = jax.random.randint(k1, (4096, 200), 0, 100000, dtype=jnp.int64 if jax.config.jax_enable_x64 else jnp.int32).astype(jnp.int32)
    # Module initializes the embedding table to zeros; keep faithful.
    weight = jnp.zeros((100000, 1), dtype=jnp.float32)
    return {"x": x, "weight": weight}


def reference(x, weight):
    # nn.Embedding lookup: gather rows of the (vocab, 1) table
    emb = jnp.take(weight, x, axis=0)  # (n, s, 1)
    scores = emb[..., 0]               # (n, s)
    logits = scores.sum(axis=-1)       # (n,)
    return logits

if __name__ == "__main__":
    import jax
    _d = setup_inputs()
    print(jax.jit(kernel)(*tuple(_d.values())))

</pallas_src>

<mosaic_0001>
#map = affine_map<(d0, d1) -> (0)>
#map1 = affine_map<(d0, d1) -> (0, 0)>
module attributes {stable_mosaic.version = 14 : i64} {
  func.func @_bow_logits_body(%arg0: i32, %arg1: i32, %arg2: memref<819200xi32, #tpu.memory_space<hbm>>, %arg3: memref<4x25000xf32, #tpu.memory_space<hbm>>, %arg4: memref<4096xf32, #tpu.memory_space<hbm>>, %arg5: memref<25000xf32, #tpu.memory_space<vmem_shared>>, %arg6: memref<25000xf32, #tpu.memory_space<vmem_shared>>, %arg7: memref<100000xf32, #tpu.memory_space<vmem>>, %arg8: memref<25600xi32, #tpu.memory_space<vmem>>, %arg9: memref<128xf32, #tpu.memory_space<vmem>>, %arg10: memref<!tpu.dma_semaphore, #tpu.memory_space<semaphore_mem>>, %arg11: memref<!tpu.dma_semaphore, #tpu.memory_space<semaphore_mem>>) attributes {dimension_semantics = [#tpu.dimension_semantics<core_parallel>, #tpu.dimension_semantics<subcore_parallel>], iteration_bounds = array<i64: 2, 16>, scalar_prefetch = 0 : i64, scratch_operands = 7 : i64, tpu.core_type = #tpu.core_type<sc_vector_subcore>, window_params = [{transform_indices = #map}, {transform_indices = #map1}, {transform_indices = #map}]} {
    %mul3A = arith.constant 2 : i32
    %mul3A_0 = arith.muli %arg1, %mul3A : i32
    %add3A = arith.addi %mul3A_0, %arg0 : i32
    %mul3A_1 = arith.constant 128 : i32
    %mul3A_2 = arith.muli %add3A, %mul3A_1 : i32
    %mul3A_3 = arith.constant 200 : i32
    %mul3A_4 = arith.muli %mul3A_2, %mul3A_3 : i32
    %dma_start3A = tpu.memref_slice %arg2[%mul3A_4] : memref<819200xi32, #tpu.memory_space<hbm>> -> memref<25600xi32, #tpu.memory_space<hbm>>
    %dma_start3A_5 = tpu.memref_slice %arg2[%mul3A_4] : memref<819200xi32, #tpu.memory_space<hbm>> -> memref<25600xi32, #tpu.memory_space<hbm>>
    tpu.enqueue_dma source(%dma_start3A_5 : memref<25600xi32, #tpu.memory_space<hbm>>) target(%arg8 : memref<25600xi32, #tpu.memory_space<vmem>>) target_semaphore(%arg10 : memref<!tpu.dma_semaphore, #tpu.memory_space<semaphore_mem>>)
    %eq3A = arith.constant 0 : i32
    %eq3A_6 = arith.cmpi eq, %arg1, %eq3A : i32
    %convert_element_type3A = arith.extui %eq3A_6 : i1 to i32
    %cond3A = arith.constant 0 : i32
    %cond3A_7 = arith.cmpi ne, %convert_element_type3A, %cond3A : i32
    scf.if %cond3A_7 {
      %run_scoped3A = arith.constant 0 : i32
      "tpu.region"() ({
        %run_scoped3A_115 = tpu.sem_alloc : memref<!tpu.dma_semaphore, #tpu.memory_space<semaphore_mem>>
        %dma_start3A_116 = arith.constant 0 : i32
        %dma_start3A_117 = tpu.memref_slice %arg3[%run_scoped3A, %dma_start3A_116] : memref<4x25000xf32, #tpu.memory_space<hbm>> -> memref<1x25000xf32, #tpu.memory_space<hbm>>
        %dma_start3A_118 = tpu.memref_squeeze %dma_start3A_117 : memref<1x25000xf32, #tpu.memory_space<hbm>> -> memref<25000xf32, #tpu.memory_space<hbm>>
        tpu.enqueue_dma source(%dma_start3A_118 : memref<25000xf32, #tpu.memory_space<hbm>>) target(%arg5 : memref<25000xf32, #tpu.memory_space<vmem_shared>>) target_semaphore(%run_scoped3A_115 : memref<!tpu.dma_semaphore, #tpu.memory_space<semaphore_mem>>)
        %dma_wait3A_119 = arith.constant 0 : i32
        %dma_wait3A_120 = tpu.memref_slice %arg3[%run_scoped3A, %dma_wait3A_119] : memref<4x25000xf32, #tpu.memory_space<hbm>> -> memref<1x25000xf32, #tpu.memory_space<hbm>>
        %dma_wait3A_121 = tpu.memref_squeeze %dma_wait3A_120 : memref<1x25000xf32, #tpu.memory_space<hbm>> -> memref<25000xf32, #tpu.memory_space<hbm>>
        tpu.wait_dma2 semaphore(%run_scoped3A_115 : memref<!tpu.dma_semaphore, #tpu.memory_space<semaphore_mem>>) src(%dma_wait3A_121 : memref<25000xf32, #tpu.memory_space<hbm>>) dst(%arg5 : memref<25000xf32, #tpu.memory_space<vmem_shared>>)
        tpu.yield
      }) : () -> ()
    } else {
    }
    %barrier3A = arith.constant 0 : index
    tpu.barrier barrier_id(%barrier3A)
    %eq3A_8 = arith.constant 0 : i32
    %eq3A_9 = arith.cmpi eq, %arg1, %eq3A_8 : i32
    %convert_element_type3A_10 = arith.extui %eq3A_9 : i1 to i32
    %cond3A_11 = arith.constant 1 : i32
    %cond3A_12 = arith.constant 0 : i32
    %cond3A_13 = arith.cmpi ne, %convert_element_type3A_10, %cond3A_12 : i32
    scf.if %cond3A_13 {
      %dma_start3A_115 = arith.constant 0 : i32
      %dma_start3A_116 = tpu.memref_slice %arg3[%cond3A_11, %dma_start3A_115] : memref<4x25000xf32, #tpu.memory_space<hbm>> -> memref<1x25000xf32, #tpu.memory_space<hbm>>
      %dma_start3A_117 = tpu.memref_squeeze %dma_start3A_116 : memref<1x25000xf32, #tpu.memory_space<hbm>> -> memref<25000xf32, #tpu.memory_space<hbm>>
      tpu.enqueue_dma source(%dma_start3A_117 : memref<25000xf32, #tpu.memory_space<hbm>>) target(%arg6 : memref<25000xf32, #tpu.memory_space<vmem_shared>>) target_semaphore(%arg11 : memref<!tpu.dma_semaphore, #tpu.memory_space<semaphore_mem>>)
    } else {
    }
    "tpu.region"() ({
      %run_scoped3A = tpu.sem_alloc : memref<!tpu.dma_semaphore, #tpu.memory_space<semaphore_mem>>
      %dma_start3A_115 = arith.constant 0 : i32
      %dma_start3A_116 = tpu.memref_slice %arg7[%dma_start3A_115] : memref<100000xf32, #tpu.memory_space<vmem>> -> memref<25000xf32, #tpu.memory_space<vmem>>
      %dma_start3A_117 = arith.constant 0 : i32
      %dma_start3A_118 = tpu.memref_slice %arg7[%dma_start3A_117] : memref<100000xf32, #tpu.memory_space<vmem>> -> memref<25000xf32, #tpu.memory_space<vmem>>
      tpu.enqueue_dma source(%arg5 : memref<25000xf32, #tpu.memory_space<vmem_shared>>) target(%dma_start3A_118 : memref<25000xf32, #tpu.memory_space<vmem>>) target_semaphore(%run_scoped3A : memref<!tpu.dma_semaphore, #tpu.memory_space<semaphore_mem>>)
      %dma_wait3A_119 = arith.constant 0 : i32
      %dma_wait3A_120 = tpu.memref_slice %arg7[%dma_wait3A_119] : memref<100000xf32, #tpu.memory_space<vmem>> -> memref<25000xf32, #tpu.memory_space<vmem>>
      %dma_wait3A_121 = arith.constant 0 : i32
      %dma_wait3A_122 = tpu.memref_slice %arg7[%dma_wait3A_121] : memref<100000xf32, #tpu.memory_space<vmem>> -> memref<25000xf32, #tpu.memory_space<vmem>>
      tpu.wait_dma2 semaphore(%run_scoped3A : memref<!tpu.dma_semaphore, #tpu.memory_space<semaphore_mem>>) src(%arg5 : memref<25000xf32, #tpu.memory_space<vmem_shared>>) dst(%dma_wait3A_122 : memref<25000xf32, #tpu.memory_space<vmem>>)
      tpu.yield
    }) : () -> ()
    %eq3A_14 = arith.constant 0 : i32
    %eq3A_15 = arith.cmpi eq, %arg1, %eq3A_14 : i32
    %convert_element_type3A_16 = arith.extui %eq3A_15 : i1 to i32
    %cond3A_17 = arith.constant 1 : i32
    %cond3A_18 = arith.constant 0 : i32
    %cond3A_19 = arith.cmpi ne, %convert_element_type3A_16, %cond3A_18 : i32
    scf.if %cond3A_19 {
      %dma_wait3A_115 = arith.constant 0 : i32
      %dma_wait3A_116 = tpu.memref_slice %arg3[%cond3A_17, %dma_wait3A_115] : memref<4x25000xf32, #tpu.memory_space<hbm>> -> memref<1x25000xf32, #tpu.memory_space<hbm>>
      %dma_wait3A_117 = tpu.memref_squeeze %dma_wait3A_116 : memref<1x25000xf32, #tpu.memory_space<hbm>> -> memref<25000xf32, #tpu.memory_space<hbm>>
      tpu.wait_dma2 semaphore(%arg11 : memref<!tpu.dma_semaphore, #tpu.memory_space<semaphore_mem>>) src(%dma_wait3A_117 : memref<25000xf32, #tpu.memory_space<hbm>>) dst(%arg6 : memref<25000xf32, #tpu.memory_space<vmem_shared>>)
    } else {
    }
    %barrier3A_20 = arith.constant 0 : index
    tpu.barrier barrier_id(%barrier3A_20)
    %eq3A_21 = arith.constant 0 : i32
    %eq3A_22 = arith.cmpi eq, %arg1, %eq3A_21 : i32
    %convert_element_type3A_23 = arith.extui %eq3A_22 : i1 to i32
    %cond3A_24 = arith.constant 2 : i32
    %cond3A_25 = arith.constant 0 : i32
    %cond3A_26 = arith.cmpi ne, %convert_element_type3A_23, %cond3A_25 : i32
    scf.if %cond3A_26 {
      %dma_start3A_115 = arith.constant 0 : i32
      %dma_start3A_116 = tpu.memref_slice %arg3[%cond3A_24, %dma_start3A_115] : memref<4x25000xf32, #tpu.memory_space<hbm>> -> memref<1x25000xf32, #tpu.memory_space<hbm>>
      %dma_start3A_117 = tpu.memref_squeeze %dma_start3A_116 : memref<1x25000xf32, #tpu.memory_space<hbm>> -> memref<25000xf32, #tpu.memory_space<hbm>>
      tpu.enqueue_dma source(%dma_start3A_117 : memref<25000xf32, #tpu.memory_space<hbm>>) target(%arg5 : memref<25000xf32, #tpu.memory_space<vmem_shared>>) target_semaphore(%arg11 : memref<!tpu.dma_semaphore, #tpu.memory_space<semaphore_mem>>)
    } else {
    }
    "tpu.region"() ({
      %run_scoped3A = tpu.sem_alloc : memref<!tpu.dma_semaphore, #tpu.memory_space<semaphore_mem>>
      %dma_start3A_115 = arith.constant 25000 : i32
      %dma_start3A_116 = tpu.memref_slice %arg7[%dma_start3A_115] : memref<100000xf32, #tpu.memory_space<vmem>> -> memref<25000xf32, #tpu.memory_space<vmem>>
      %dma_start3A_117 = arith.constant 25000 : i32
      %dma_start3A_118 = tpu.memref_slice %arg7[%dma_start3A_117] : memref<100000xf32, #tpu.memory_space<vmem>> -> memref<25000xf32, #tpu.memory_space<vmem>>
      tpu.enqueue_dma source(%arg6 : memref<25000xf32, #tpu.memory_space<vmem_shared>>) target(%dma_start3A_118 : memref<25000xf32, #tpu.memory_space<vmem>>) target_semaphore(%run_scoped3A : memref<!tpu.dma_semaphore, #tpu.memory_space<semaphore_mem>>)
      %dma_wait3A_119 = arith.constant 25000 : i32
      %dma_wait3A_120 = tpu.memref_slice %arg7[%dma_wait3A_119] : memref<100000xf32, #tpu.memory_space<vmem>> -> memref<25000xf32, #tpu.memory_space<vmem>>
      %dma_wait3A_121 = arith.constant 25000 : i32
      %dma_wait3A_122 = tpu.memref_slice %arg7[%dma_wait3A_121] : memref<100000xf32, #tpu.memory_space<vmem>> -> memref<25000xf32, #tpu.memory_space<vmem>>
      tpu.wait_dma2 semaphore(%run_scoped3A : memref<!tpu.dma_semaphore, #tpu.memory_space<semaphore_mem>>) src(%arg6 : memref<25000xf32, #tpu.memory_space<vmem_shared>>) dst(%dma_wait3A_122 : memref<25000xf32, #tpu.memory_space<vmem>>)
      tpu.yield
    }) : () -> ()
    %eq3A_27 = arith.constant 0 : i32
    %eq3A_28 = arith.cmpi eq, %arg1, %eq3A_27 : i32
    %convert_element_type3A_29 = arith.extui %eq3A_28 : i1 to i32
    %cond3A_30 = arith.constant 2 : i32
    %cond3A_31 = arith.constant 0 : i32
    %cond3A_32 = arith.cmpi ne, %convert_element_type3A_29, %cond3A_31 : i32
    scf.if %cond3A_32 {
      %dma_wait3A_115 = arith.constant 0 : i32
      %dma_wait3A_116 = tpu.memref_slice %arg3[%cond3A_30, %dma_wait3A_115] : memref<4x25000xf32, #tpu.memory_space<hbm>> -> memref<1x25000xf32, #tpu.memory_space<hbm>>
      %dma_wait3A_117 = tpu.memref_squeeze %dma_wait3A_116 : memref<1x25000xf32, #tpu.memory_space<hbm>> -> memref<25000xf32, #tpu.memory_space<hbm>>
      tpu.wait_dma2 semaphore(%arg11 : memref<!tpu.dma_semaphore, #tpu.memory_space<semaphore_mem>>) src(%dma_wait3A_117 : memref<25000xf32, #tpu.memory_space<hbm>>) dst(%arg5 : memref<25000xf32, #tpu.memory_space<vmem_shared>>)
    } else {
    }
    %barrier3A_33 = arith.constant 0 : index
    tpu.barrier barrier_id(%barrier3A_33)
    %eq3A_34 = arith.constant 0 : i32
    %eq3A_35 = arith.cmpi eq, %arg1, %eq3A_34 : i32
    %convert_element_type3A_36 = arith.extui %eq3A_35 : i1 to i32
    %cond3A_37 = arith.constant 3 : i32
    %cond3A_38 = arith.constant 0 : i32
    %cond3A_39 = arith.cmpi ne, %convert_element_type3A_36, %cond3A_38 : i32
    scf.if %cond3A_39 {
      %dma_start3A_115 = arith.constant 0 : i32
      %dma_start3A_116 = tpu.memref_slice %arg3[%cond3A_37, %dma_start3A_115] : memref<4x25000xf32, #tpu.memory_space<hbm>> -> memref<1x25000xf32, #tpu.memory_space<hbm>>
      %dma_start3A_117 = tpu.memref_squeeze %dma_start3A_116 : memref<1x25000xf32, #tpu.memory_space<hbm>> -> memref<25000xf32, #tpu.memory_space<hbm>>
      tpu.enqueue_dma source(%dma_start3A_117 : memref<25000xf32, #tpu.memory_space<hbm>>) target(%arg6 : memref<25000xf32, #tpu.memory_space<vmem_shared>>) target_semaphore(%arg11 : memref<!tpu.dma_semaphore, #tpu.memory_space<semaphore_mem>>)
    } else {
    }
    "tpu.region"() ({
      %run_scoped3A = tpu.sem_alloc : memref<!tpu.dma_semaphore, #tpu.memory_space<semaphore_mem>>
      %dma_start3A_115 = arith.constant 50000 : i32
      %dma_start3A_116 = tpu.memref_slice %arg7[%dma_start3A_115] : memref<100000xf32, #tpu.memory_space<vmem>> -> memref<25000xf32, #tpu.memory_space<vmem>>
      %dma_start3A_117 = arith.constant 50000 : i32
      %dma_start3A_118 = tpu.memref_slice %arg7[%dma_start3A_117] : memref<100000xf32, #tpu.memory_space<vmem>> -> memref<25000xf32, #tpu.memory_space<vmem>>
      tpu.enqueue_dma source(%arg5 : memref<25000xf32, #tpu.memory_space<vmem_shared>>) target(%dma_start3A_118 : memref<25000xf32, #tpu.memory_space<vmem>>) target_semaphore(%run_scoped3A : memref<!tpu.dma_semaphore, #tpu.memory_space<semaphore_mem>>)
      %dma_wait3A_119 = arith.constant 50000 : i32
      %dma_wait3A_120 = tpu.memref_slice %arg7[%dma_wait3A_119] : memref<100000xf32, #tpu.memory_space<vmem>> -> memref<25000xf32, #tpu.memory_space<vmem>>
      %dma_wait3A_121 = arith.constant 50000 : i32
      %dma_wait3A_122 = tpu.memref_slice %arg7[%dma_wait3A_121] : memref<100000xf32, #tpu.memory_space<vmem>> -> memref<25000xf32, #tpu.memory_space<vmem>>
      tpu.wait_dma2 semaphore(%run_scoped3A : memref<!tpu.dma_semaphore, #tpu.memory_space<semaphore_mem>>) src(%arg5 : memref<25000xf32, #tpu.memory_space<vmem_shared>>) dst(%dma_wait3A_122 : memref<25000xf32, #tpu.memory_space<vmem>>)
      tpu.yield
    }) : () -> ()
    %eq3A_40 = arith.constant 0 : i32
    %eq3A_41 = arith.cmpi eq, %arg1, %eq3A_40 : i32
    %convert_element_type3A_42 = arith.extui %eq3A_41 : i1 to i32
    %cond3A_43 = arith.constant 3 : i32
    %cond3A_44 = arith.constant 0 : i32
    %cond3A_45 = arith.cmpi ne, %convert_element_type3A_42, %cond3A_44 : i32
    scf.if %cond3A_45 {
      %dma_wait3A_115 = arith.constant 0 : i32
      %dma_wait3A_116 = tpu.memref_slice %arg3[%cond3A_43, %dma_wait3A_115] : memref<4x25000xf32, #tpu.memory_space<hbm>> -> memref<1x25000xf32, #tpu.memory_space<hbm>>
      %dma_wait3A_117 = tpu.memref_squeeze %dma_wait3A_116 : memref<1x25000xf32, #tpu.memory_space<hbm>> -> memref<25000xf32, #tpu.memory_space<hbm>>
      tpu.wait_dma2 semaphore(%arg11 : memref<!tpu.dma_semaphore, #tpu.memory_space<semaphore_mem>>) src(%dma_wait3A_117 : memref<25000xf32, #tpu.memory_space<hbm>>) dst(%arg6 : memref<25000xf32, #tpu.memory_space<vmem_shared>>)
    } else {
    }
    %barrier3A_46 = arith.constant 0 : index
    tpu.barrier barrier_id(%barrier3A_46)
    "tpu.region"() ({
      %run_scoped3A = tpu.sem_alloc : memref<!tpu.dma_semaphore, #tpu.memory_space<semaphore_mem>>
      %dma_start3A_115 = arith.constant 75000 : i32
      %dma_start3A_116 = tpu.memref_slice %arg7[%dma_start3A_115] : memref<100000xf32, #tpu.memory_space<vmem>> -> memref<25000xf32, #tpu.memory_space<vmem>>
      %dma_start3A_117 = arith.constant 75000 : i32
      %dma_start3A_118 = tpu.memref_slice %arg7[%dma_start3A_117] : memref<100000xf32, #tpu.memory_space<vmem>> -> memref<25000xf32, #tpu.memory_space<vmem>>
      tpu.enqueue_dma source(%arg6 : memref<25000xf32, #tpu.memory_space<vmem_shared>>) target(%dma_start3A_118 : memref<25000xf32, #tpu.memory_space<vmem>>) target_semaphore(%run_scoped3A : memref<!tpu.dma_semaphore, #tpu.memory_space<semaphore_mem>>)
      %dma_wait3A_119 = arith.constant 75000 : i32
      %dma_wait3A_120 = tpu.memref_slice %arg7[%dma_wait3A_119] : memref<100000xf32, #tpu.memory_space<vmem>> -> memref<25000xf32, #tpu.memory_space<vmem>>
      %dma_wait3A_121 = arith.constant 75000 : i32
      %dma_wait3A_122 = tpu.memref_slice %arg7[%dma_wait3A_121] : memref<100000xf32, #tpu.memory_space<vmem>> -> memref<25000xf32, #tpu.memory_space<vmem>>
      tpu.wait_dma2 semaphore(%run_scoped3A : memref<!tpu.dma_semaphore, #tpu.memory_space<semaphore_mem>>) src(%arg6 : memref<25000xf32, #tpu.memory_space<vmem_shared>>) dst(%dma_wait3A_122 : memref<25000xf32, #tpu.memory_space<vmem>>)
      tpu.yield
    }) : () -> ()
    %dma_wait3A = tpu.memref_slice %arg2[%mul3A_4] : memref<819200xi32, #tpu.memory_space<hbm>> -> memref<25600xi32, #tpu.memory_space<hbm>>
    %dma_wait3A_47 = tpu.memref_slice %arg2[%mul3A_4] : memref<819200xi32, #tpu.memory_space<hbm>> -> memref<25600xi32, #tpu.memory_space<hbm>>
    tpu.wait_dma2 semaphore(%arg10 : memref<!tpu.dma_semaphore, #tpu.memory_space<semaphore_mem>>) src(%dma_wait3A_47 : memref<25600xi32, #tpu.memory_space<hbm>>) dst(%arg8 : memref<25600xi32, #tpu.memory_space<vmem>>)
    %iota3A = tpu.iota {dimensions = array<i32: 0>} : vector<16xi32>
    %add3A_48 = arith.constant 0 : i32
    %add3A_49 = vector.broadcast %add3A_48 : i32 to vector<16xi32>
    %add3A_50 = arith.addi %add3A_49, %iota3A : vector<16xi32>
    %mul3A_51 = arith.constant 200 : i32
    %mul3A_52 = vector.broadcast %mul3A_51 : i32 to vector<16xi32>
    %mul3A_53 = arith.muli %add3A_50, %mul3A_52 : vector<16xi32>
    %add3A_54 = arith.constant 16 : i32
    %add3A_55 = vector.broadcast %add3A_54 : i32 to vector<16xi32>
    %add3A_56 = arith.addi %add3A_55, %iota3A : vector<16xi32>
    %mul3A_57 = arith.constant 200 : i32
    %mul3A_58 = vector.broadcast %mul3A_57 : i32 to vector<16xi32>
    %mul3A_59 = arith.muli %add3A_56, %mul3A_58 : vector<16xi32>
    %add3A_60 = arith.constant 32 : i32
    %add3A_61 = vector.broadcast %add3A_60 : i32 to vector<16xi32>
    %add3A_62 = arith.addi %add3A_61, %iota3A : vector<16xi32>
    %mul3A_63 = arith.constant 200 : i32
    %mul3A_64 = vector.broadcast %mul3A_63 : i32 to vector<16xi32>
    %mul3A_65 = arith.muli %add3A_62, %mul3A_64 : vector<16xi32>
    %add3A_66 = arith.constant 48 : i32
    %add3A_67 = vector.broadcast %add3A_66 : i32 to vector<16xi32>
    %add3A_68 = arith.addi %add3A_67, %iota3A : vector<16xi32>
    %mul3A_69 = arith.constant 200 : i32
    %mul3A_70 = vector.broadcast %mul3A_69 : i32 to vector<16xi32>
    %mul3A_71 = arith.muli %add3A_68, %mul3A_70 : vector<16xi32>
    %add3A_72 = arith.constant 64 : i32
    %add3A_73 = vector.broadcast %add3A_72 : i32 to vector<16xi32>
    %add3A_74 = arith.addi %add3A_73, %iota3A : vector<16xi32>
    %mul3A_75 = arith.constant 200 : i32
    %mul3A_76 = vector.broadcast %mul3A_75 : i32 to vector<16xi32>
    %mul3A_77 = arith.muli %add3A_74, %mul3A_76 : vector<16xi32>
    %add3A_78 = arith.constant 80 : i32
    %add3A_79 = vector.broadcast %add3A_78 : i32 to vector<16xi32>
    %add3A_80 = arith.addi %add3A_79, %iota3A : vector<16xi32>
    %mul3A_81 = arith.constant 200 : i32
    %mul3A_82 = vector.broadcast %mul3A_81 : i32 to vector<16xi32>
    %mul3A_83 = arith.muli %add3A_80, %mul3A_82 : vector<16xi32>
    %add3A_84 = arith.constant 96 : i32
    %add3A_85 = vector.broadcast %add3A_84 : i32 to vector<16xi32>
    %add3A_86 = arith.addi %add3A_85, %iota3A : vector<16xi32>
    %mul3A_87 = arith.constant 200 : i32
    %mul3A_88 = vector.broadcast %mul3A_87 : i32 to vector<16xi32>
    %mul3A_89 = arith.muli %add3A_86, %mul3A_88 : vector<16xi32>
    %add3A_90 = arith.constant 112 : i32
    %add3A_91 = vector.broadcast %add3A_90 : i32 to vector<16xi32>
    %add3A_92 = arith.addi %add3A_91, %iota3A : vector<16xi32>
    %mul3A_93 = arith.constant 200 : i32
    %mul3A_94 = vector.broadcast %mul3A_93 : i32 to vector<16xi32>
    %mul3A_95 = arith.muli %add3A_92, %mul3A_94 : vector<16xi32>
    %broadcast_in_dim3A = arith.constant 0.000000e+00 : f32
    %broadcast_in_dim3A_96 = vector.broadcast %broadcast_in_dim3A : f32 to vector<16xf32>
    %parallel_loop3A = arith.constant 0 : i32
    %parallel_loop3A_97 = arith.constant 200 : i32
    %parallel_loop3A_98 = arith.constant 1 : i32
    %parallel_loop3A_99:8 = scf.for %parallel_loop3A_115 = %parallel_loop3A to %parallel_loop3A_97 step %parallel_loop3A_98 iter_args(%parallel_loop3A_116 = %broadcast_in_dim3A_96, %parallel_loop3A_117 = %broadcast_in_dim3A_96, %parallel_loop3A_118 = %broadcast_in_dim3A_96, %parallel_loop3A_119 = %broadcast_in_dim3A_96, %parallel_loop3A_120 = %broadcast_in_dim3A_96, %parallel_loop3A_121 = %broadcast_in_dim3A_96, %parallel_loop3A_122 = %broadcast_in_dim3A_96, %parallel_loop3A_123 = %broadcast_in_dim3A_96) -> (vector<16xf32>, vector<16xf32>, vector<16xf32>, vector<16xf32>, vector<16xf32>, vector<16xf32>, vector<16xf32>, vector<16xf32>)  : i32 {
      %parallel_loop3A_124 = vector.broadcast %parallel_loop3A_115 : i32 to vector<16xi32>
      %parallel_loop3A_125 = arith.addi %mul3A_53, %parallel_loop3A_124 : vector<16xi32>
      %parallel_loop3A_126 = tpu.vector_load_idx %arg8[%parallel_loop3A_125] : memref<25600xi32, #tpu.memory_space<vmem>>[vector<16xi32>], vector<16xi32>,
      %parallel_loop3A_127 = tpu.vector_load_idx %arg7[%parallel_loop3A_126] : memref<100000xf32, #tpu.memory_space<vmem>>[vector<16xi32>], vector<16xf32>,
      %parallel_loop3A_128 = arith.addf %parallel_loop3A_116, %parallel_loop3A_127 : vector<16xf32>
      %parallel_loop3A_129 = vector.broadcast %parallel_loop3A_115 : i32 to vector<16xi32>
      %parallel_loop3A_130 = arith.addi %mul3A_59, %parallel_loop3A_129 : vector<16xi32>
      %parallel_loop3A_131 = tpu.vector_load_idx %arg8[%parallel_loop3A_130] : memref<25600xi32, #tpu.memory_space<vmem>>[vector<16xi32>], vector<16xi32>,
      %parallel_loop3A_132 = tpu.vector_load_idx %arg7[%parallel_loop3A_131] : memref<100000xf32, #tpu.memory_space<vmem>>[vector<16xi32>], vector<16xf32>,
      %parallel_loop3A_133 = arith.addf %parallel_loop3A_117, %parallel_loop3A_132 : vector<16xf32>
      %parallel_loop3A_134 = vector.broadcast %parallel_loop3A_115 : i32 to vector<16xi32>
      %parallel_loop3A_135 = arith.addi %mul3A_65, %parallel_loop3A_134 : vector<16xi32>
      %parallel_loop3A_136 = tpu.vector_load_idx %arg8[%parallel_loop3A_135] : memref<25600xi32, #tpu.memory_space<vmem>>[vector<16xi32>], vector<16xi32>,
      %parallel_loop3A_137 = tpu.vector_load_idx %arg7[%parallel_loop3A_136] : memref<100000xf32, #tpu.memory_space<vmem>>[vector<16xi32>], vector<16xf32>,
      %parallel_loop3A_138 = arith.addf %parallel_loop3A_118, %parallel_loop3A_137 : vector<16xf32>
      %parallel_loop3A_139 = vector.broadcast %parallel_loop3A_115 : i32 to vector<16xi32>
      %parallel_loop3A_140 = arith.addi %mul3A_71, %parallel_loop3A_139 : vector<16xi32>
      %parallel_loop3A_141 = tpu.vector_load_idx %arg8[%parallel_loop3A_140] : memref<25600xi32, #tpu.memory_space<vmem>>[vector<16xi32>], vector<16xi32>,
      %parallel_loop3A_142 = tpu.vector_load_idx %arg7[%parallel_loop3A_141] : memref<100000xf32, #tpu.memory_space<vmem>>[vector<16xi32>], vector<16xf32>,
      %parallel_loop3A_143 = arith.addf %parallel_loop3A_119, %parallel_loop3A_142 : vector<16xf32>
      %parallel_loop3A_144 = vector.broadcast %parallel_loop3A_115 : i32 to vector<16xi32>
      %parallel_loop3A_145 = arith.addi %mul3A_77, %parallel_loop3A_144 : vector<16xi32>
      %parallel_loop3A_146 = tpu.vector_load_idx %arg8[%parallel_loop3A_145] : memref<25600xi32, #tpu.memory_space<vmem>>[vector<16xi32>], vector<16xi32>,
      %parallel_loop3A_147 = tpu.vector_load_idx %arg7[%parallel_loop3A_146] : memref<100000xf32, #tpu.memory_space<vmem>>[vector<16xi32>], vector<16xf32>,
      %parallel_loop3A_148 = arith.addf %parallel_loop3A_120, %parallel_loop3A_147 : vector<16xf32>
      %parallel_loop3A_149 = vector.broadcast %parallel_loop3A_115 : i32 to vector<16xi32>
      %parallel_loop3A_150 = arith.addi %mul3A_83, %parallel_loop3A_149 : vector<16xi32>
      %parallel_loop3A_151 = tpu.vector_load_idx %arg8[%parallel_loop3A_150] : memref<25600xi32, #tpu.memory_space<vmem>>[vector<16xi32>], vector<16xi32>,
      %parallel_loop3A_152 = tpu.vector_load_idx %arg7[%parallel_loop3A_151] : memref<100000xf32, #tpu.memory_space<vmem>>[vector<16xi32>], vector<16xf32>,
      %parallel_loop3A_153 = arith.addf %parallel_loop3A_121, %parallel_loop3A_152 : vector<16xf32>
      %parallel_loop3A_154 = vector.broadcast %parallel_loop3A_115 : i32 to vector<16xi32>
      %parallel_loop3A_155 = arith.addi %mul3A_89, %parallel_loop3A_154 : vector<16xi32>
      %parallel_loop3A_156 = tpu.vector_load_idx %arg8[%parallel_loop3A_155] : memref<25600xi32, #tpu.memory_space<vmem>>[vector<16xi32>], vector<16xi32>,
      %parallel_loop3A_157 = tpu.vector_load_idx %arg7[%parallel_loop3A_156] : memref<100000xf32, #tpu.memory_space<vmem>>[vector<16xi32>], vector<16xf32>,
      %parallel_loop3A_158 = arith.addf %parallel_loop3A_122, %parallel_loop3A_157 : vector<16xf32>
      %parallel_loop3A_159 = vector.broadcast %parallel_loop3A_115 : i32 to vector<16xi32>
      %parallel_loop3A_160 = arith.addi %mul3A_95, %parallel_loop3A_159 : vector<16xi32>
      %parallel_loop3A_161 = tpu.vector_load_idx %arg8[%parallel_loop3A_160] : memref<25600xi32, #tpu.memory_space<vmem>>[vector<16xi32>], vector<16xi32>,
      %parallel_loop3A_162 = tpu.vector_load_idx %arg7[%parallel_loop3A_161] : memref<100000xf32, #tpu.memory_space<vmem>>[vector<16xi32>], vector<16xf32>,
      %parallel_loop3A_163 = arith.addf %parallel_loop3A_123, %parallel_loop3A_162 : vector<16xf32>
      scf.yield %parallel_loop3A_128, %parallel_loop3A_133, %parallel_loop3A_138, %parallel_loop3A_143, %parallel_loop3A_148, %parallel_loop3A_153, %parallel_loop3A_158, %parallel_loop3A_163 : vector<16xf32>, vector<16xf32>, vector<16xf32>, vector<16xf32>, vector<16xf32>, vector<16xf32>, vector<16xf32>, vector<16xf32>
    } {sc.loop_unroll_factor = 2 : i64, sc.parallel_access}
    %swap3A = arith.constant 0 : index
    %swap3A_100 = tpu.vector_load %arg9[%swap3A] {strides = array<i32>} : memref<128xf32, #tpu.memory_space<vmem>>, vector<16xf32>,
    tpu.vector_store %arg9[%swap3A], %parallel_loop3A_99#0 {strides = array<i32>} : memref<128xf32, #tpu.memory_space<vmem>>, vector<16xf32>,
    %swap3A_101 = arith.constant 16 : index
    %swap3A_102 = tpu.vector_load %arg9[%swap3A_101] {strides = array<i32>} : memref<128xf32, #tpu.memory_space<vmem>>, vector<16xf32>,
    tpu.vector_store %arg9[%swap3A_101], %parallel_loop3A_99#1 {strides = array<i32>} : memref<128xf32, #tpu.memory_space<vmem>>, vector<16xf32>,
    %swap3A_103 = arith.constant 32 : index
    %swap3A_104 = tpu.vector_load %arg9[%swap3A_103] {strides = array<i32>} : memref<128xf32, #tpu.memory_space<vmem>>, vector<16xf32>,
    tpu.vector_store %arg9[%swap3A_103], %parallel_loop3A_99#2 {strides = array<i32>} : memref<128xf32, #tpu.memory_space<vmem>>, vector<16xf32>,
    %swap3A_105 = arith.constant 48 : index
    %swap3A_106 = tpu.vector_load %arg9[%swap3A_105] {strides = array<i32>} : memref<128xf32, #tpu.memory_space<vmem>>, vector<16xf32>,
    tpu.vector_store %arg9[%swap3A_105], %parallel_loop3A_99#3 {strides = array<i32>} : memref<128xf32, #tpu.memory_space<vmem>>, vector<16xf32>,
    %swap3A_107 = arith.constant 64 : index
    %swap3A_108 = tpu.vector_load %arg9[%swap3A_107] {strides = array<i32>} : memref<128xf32, #tpu.memory_space<vmem>>, vector<16xf32>,
    tpu.vector_store %arg9[%swap3A_107], %parallel_loop3A_99#4 {strides = array<i32>} : memref<128xf32, #tpu.memory_space<vmem>>, vector<16xf32>,
    %swap3A_109 = arith.constant 80 : index
    %swap3A_110 = tpu.vector_load %arg9[%swap3A_109] {strides = array<i32>} : memref<128xf32, #tpu.memory_space<vmem>>, vector<16xf32>,
    tpu.vector_store %arg9[%swap3A_109], %parallel_loop3A_99#5 {strides = array<i32>} : memref<128xf32, #tpu.memory_space<vmem>>, vector<16xf32>,
    %swap3A_111 = arith.constant 96 : index
    %swap3A_112 = tpu.vector_load %arg9[%swap3A_111] {strides = array<i32>} : memref<128xf32, #tpu.memory_space<vmem>>, vector<16xf32>,
    tpu.vector_store %arg9[%swap3A_111], %parallel_loop3A_99#6 {strides = array<i32>} : memref<128xf32, #tpu.memory_space<vmem>>, vector<16xf32>,
    %swap3A_113 = arith.constant 112 : index
    %swap3A_114 = tpu.vector_load %arg9[%swap3A_113] {strides = array<i32>} : memref<128xf32, #tpu.memory_space<vmem>>, vector<16xf32>,
    tpu.vector_store %arg9[%swap3A_113], %parallel_loop3A_99#7 {strides = array<i32>} : memref<128xf32, #tpu.memory_space<vmem>>, vector<16xf32>,
    "tpu.region"() ({
      %run_scoped3A = tpu.sem_alloc : memref<!tpu.dma_semaphore, #tpu.memory_space<semaphore_mem>>
      %dma_start3A_115 = tpu.memref_slice %arg4[%mul3A_2] : memref<4096xf32, #tpu.memory_space<hbm>> -> memref<128xf32, #tpu.memory_space<hbm>>
      %dma_start3A_116 = tpu.memref_slice %arg4[%mul3A_2] : memref<4096xf32, #tpu.memory_space<hbm>> -> memref<128xf32, #tpu.memory_space<hbm>>
      tpu.enqueue_dma source(%arg9 : memref<128xf32, #tpu.memory_space<vmem>>) target(%dma_start3A_116 : memref<128xf32, #tpu.memory_space<hbm>>) target_semaphore(%run_scoped3A : memref<!tpu.dma_semaphore, #tpu.memory_space<semaphore_mem>>)
      %dma_wait3A_117 = tpu.memref_slice %arg4[%mul3A_2] : memref<4096xf32, #tpu.memory_space<hbm>> -> memref<128xf32, #tpu.memory_space<hbm>>
      %dma_wait3A_118 = tpu.memref_slice %arg4[%mul3A_2] : memref<4096xf32, #tpu.memory_space<hbm>> -> memref<128xf32, #tpu.memory_space<hbm>>
      tpu.wait_dma2 semaphore(%run_scoped3A : memref<!tpu.dma_semaphore, #tpu.memory_space<semaphore_mem>>) src(%arg9 : memref<128xf32, #tpu.memory_space<vmem>>) dst(%dma_wait3A_118 : memref<128xf32, #tpu.memory_space<hbm>>)
      tpu.yield
    }) : () -> ()
    return
  }
}

</mosaic_0001>

<sc_bundles>
// kernel: kernel.3.cloned.1.call-start
scs
__scs_entry_jumppad:
0x0: {  	(pc) =	sbr.rel $0x88, $3  }
0x1: {  	(tag) =	ssettag $0x0;
	lr =	simm.s32 $0x1  }
0x2: {  	[smem:$0x3F9F] =	sst lr;
	_ =	strace $0xD0000000  }
0x3: {  	_ = 	snop  }
0x4: {  	_ = 	snop  }
0x5: {  	_ = 	snop  }
0x6: {  	_ = 	snop  }
0x7: {  	_ = 	snop  }
__scs_overlays_trampoline_lowered:
0x8: {  	[smem:$0x3FAE] =	sst s0  }
0x9: {  	[smem:$0x3FAF] =	sst s1  }
0xa: {  	[smem:$0x3FB0] =	sst s2  }
0xb: {  	[smem:$0x3FB1] =	sst s3  }
0xc: {  	[smem:$0x3FB2] =	sst s4  }
0xd: {  	[smem:$0x3FB3] =	sst s5  }
0xe: {  	[smem:$0x3FB4] =	sst s6  }
0xf: {  	[smem:$0x3FB5] =	sst s7  }
0x10: {  	[smem:$0x3FB6] =	sst s8  }
0x11: {  	[smem:$0x3FB7] =	sst s9;
	s0 =	simm.s32 @!p0 $0x0  }
0x12: {  	s1 =	sld [smem:$0x3F9D];
	s0 =	simm.s32 @p0 $0x1  }
0x13: {  	[smem:$0x3FB8] =	sst s0;
	s0 =	simm.s32 @!p1 $0x0  }
0x14: {  	s2 =	sld [smem:$0x3F9C];
	s0 =	simm.s32 @p1 $0x1  }
0x15: {  	[smem:$0x3FB9] =	sst s0;
	s0 =	simm.s32 @!p2 $0x0  }
0x16: {  	s3 =	sld [smem:$0x3FDB];
	s0 =	simm.s32 @p2 $0x1  }
0x17: {  	s4 =	simm.s32 $0x1BF5;
	[smem:$0x3FBB] =	sst s0  }
0x18: {  	s0 =	sld [smem:$0x3F9E];
	_ =	swait.ge [sflag:s4], $0x0  }
0x19: {  	s7 =	sld [smem:$0x3F9F]  }
0x1a: {  	s8 =	sadd.s32 $0xFFFFE003, lr  }
0x1b: {  	s9 =	sadd.s32 $0xFFFFFEF7, lr;
	s5 =	simm.s32 $0xFFFFFFFF;
	p2 =	slt.u32 s8, $0xFFFFF086  }
0x1c: {  	p1 =	slt.u32 s9, $0xF7A;
	s5 =	simm.s32 @!p2 $0x0  }
0x1d: {  	s5 =	simm.s32 @p1 $0x1;
	p0 =	seq.s32 s7, s2  }
0x1e: {  	s7 =	smul.u32 @!p0 $0xF7A, s2;
	p2 =	seq.s32 @!p0 s5, $0x0  }
0x1f: {  	s9 =	smul.u32 $0xF7A, s1;
	s8 =	simm.s32 @!p0 $0x1BF5;
	p2 =	por !p2, p0  }
0x20: {  	[sflag:s8] =	ssyncset.s32 @!p0 $0xFFFFF086;
	s6 =	sadd.s32 @!p0 s3, s7;
	s7 =	simm.s32 @!p0 $0x108  }
0x21: {  	s3 =	sadd.s32 s3, s9;
	s6 =	sadd.s32 @!p0 $0x88, s6;
	s7 =	simm.s32 @p2 $0x1082  }
0x22: {  	[simem:s7], [sflag:s8] =	dma.local @!p0 [hbm:s6], $0xF7A  }
0x23: {  	s9 =	sor.u32 $0xD0000000, s2;
	s6 =	simm.s32 $0x108;
	_ =	swait.ge @!p0 [sflag:s8], $0x0  }
0x24: {  	s3 =	sadd.s32 $0x88, s3;
	s6 =	simm.s32 @!p1 $0x1082;
	[sflag:s4] =	ssyncset.s32 $0xFFFFF086  }
0x25: {  	[simem:s6], [sflag:s4] =	dma.local [hbm:s3], $0xF7A  }
0x26: {  	[smem:$0x3F9F] =	sst s1;
	(tag) =	ssettag s2;
	_ =	strace s9  }
0x27: {  	s1 =	sld [smem:$0x3FAF]  }
0x28: {  	s2 =	sld [smem:$0x3FB0]  }
0x29: {  	s4 =	sld [smem:$0x3FB2]  }
0x2a: {  	p0 =	seq.s32 s5, $0x0;
	s5 =	sld [smem:$0x3FB3]  }
0x2b: {  	s6 =	sld [smem:$0x3FB4]  }
0x2c: {  	s7 =	sld [smem:$0x3FB5]  }
0x2d: {  	s3 =	simm.s32 $0x108;
	s8 =	sld [smem:$0x3FB6]  }
0x2e: {  	s3 =	simm.s32 @!p0 $0x1082;
	s9 =	sld [smem:$0x3FB7]  }
0x2f: {  	lr =	sadd.s32 s0, s3;
	s0 =	sld [smem:$0x3FAE]  }
0x30: {  	s3 =	sld [smem:$0x3FB1]  }
0x31: {  	[smem:$0x3FBA] =	sst s10  }
0x32: {  	s10 =	sld [smem:$0x3FB8];
	_ =	sdelay $0x3  }
0x33: {  	p0 =	seq.s32 s10, $0x1;
	s10 =	sld [smem:$0x3FBA];
	_ =	sdelay $0x3  }
0x34: {  	[smem:$0x3FBA] =	sst s10  }
0x35: {  	s10 =	sld [smem:$0x3FB9];
	_ =	sdelay $0x3  }
0x36: {  	p1 =	seq.s32 s10, $0x1;
	s10 =	sld [smem:$0x3FBA];
	_ =	sdelay $0x3  }
0x37: {  	[smem:$0x3FBA] =	sst s10  }
0x38: {  	s10 =	sld [smem:$0x3FBB]  }
0x39: {  	_ = 	snop;
	(pc) =	sbr.ind lr, $3  }
0x3a: {  	_ = 	snop  }
0x3b: {  	_ = 	snop  }
0x3c: {  	p2 =	seq.s32 s10, $0x1;
	s10 =	sld [smem:$0x3FBA]  }
0x3d: {  	_ =	shalt  }
0x3e: {  	_ =	shalt  }
0x3f: {  	_ =	shalt  }
0x40: {  	_ =	shalt  }
0x41: {  	_ =	shalt  }
0x42: {  	_ =	shalt  }
0x43: {  	_ =	shalt  }
0x44: {  	_ =	shalt  }
0x45: {  	_ =	shalt  }
0x46: {  	_ =	shalt  }
0x47: {  	_ =	shalt  }
0x48: {  	_ =	shalt  }
0x49: {  	_ =	shalt  }
0x4a: {  	_ =	shalt  }
0x4b: {  	_ =	shalt  }
0x4c: {  	_ =	shalt  }
0x4d: {  	_ =	shalt  }
0x4e: {  	_ =	shalt  }
0x4f: {  	_ =	shalt  }
0x50: {  	_ =	shalt  }
0x51: {  	_ =	shalt  }
0x52: {  	_ =	shalt  }
0x53: {  	_ =	shalt  }
0x54: {  	_ =	shalt  }
0x55: {  	_ =	shalt  }
0x56: {  	_ =	shalt  }
0x57: {  	_ =	shalt  }
0x58: {  	_ =	shalt  }
0x59: {  	_ =	shalt  }
0x5a: {  	_ =	shalt  }
0x5b: {  	_ =	shalt  }
0x5c: {  	_ =	shalt  }
0x5d: {  	_ =	shalt  }
0x5e: {  	_ =	shalt  }
0x5f: {  	_ =	shalt  }
0x60: {  	_ =	shalt  }
0x61: {  	_ =	shalt  }
0x62: {  	_ =	shalt  }
0x63: {  	_ =	shalt  }
0x64: {  	_ =	shalt  }
0x65: {  	_ =	shalt  }
0x66: {  	_ =	shalt  }
0x67: {  	_ =	shalt  }
0x68: {  	_ =	shalt  }
0x69: {  	_ =	shalt  }
0x6a: {  	_ =	shalt  }
0x6b: {  	_ =	shalt  }
0x6c: {  	_ =	shalt  }
0x6d: {  	_ =	shalt  }
0x6e: {  	_ =	shalt  }
0x6f: {  	_ =	shalt  }
0x70: {  	_ =	shalt  }
0x71: {  	_ =	shalt  }
0x72: {  	_ =	shalt  }
0x73: {  	_ =	shalt  }
0x74: {  	_ =	shalt  }
0x75: {  	_ =	shalt  }
0x76: {  	_ =	shalt  }
0x77: {  	_ =	shalt  }
0x78: {  	_ =	shalt  }
0x79: {  	_ =	shalt  }
0x7a: {  	_ =	shalt  }
0x7b: {  	_ =	shalt  }
0x7c: {  	_ =	shalt  }
0x7d: {  	_ =	shalt  }
0x7e: {  	_ =	shalt  }
0x7f: {  	_ =	shalt  }
0x80: {  	_ =	shalt  }
0x81: {  	_ =	shalt  }
0x82: {  	_ =	shalt  }
0x83: {  	_ =	shalt  }
0x84: {  	_ =	shalt  }
0x85: {  	_ =	shalt  }
0x86: {  	_ =	shalt  }
0x87: {  	_ =	shalt  }
.Lfunc_end0:
.L_simem_size_0:
called_computation_lowered:
.L_overlay_start_0:
0x88: {  	s2 =	sld [smem:$0x3FD9]  }
0x89: {  	s3 =	sld [smem:$0x3FFE];
	_ =	sdelay $0x1  }
0x8a: {  	s1 =	srdreg.scid  }
0x8b: {  	s0 =	sand.u32 $0x1, s1  }
0x8c: {  	s17 =	sshll.u32 s0, $0xA;
	s2 =	sadd.s32 s3, s2  }
0x8d: {  	s2 =	sadd.s32 s2, s17  }
0x8e: {  	[smem:$0x3FC6] =	sst s2  }
0x8f: {  	_ = 	snop  }
0x90: {  	s2 =	sld [smem:$0x3FD0];
	(tm) =	ssettm $0x1  }
0x91: {  	s18 =	sld [smem:$0x3FFB];
	_ =	sdelay $0x3  }
0x92: {  	_ =	strace s18  }
0x93: {  	s3 =	sld [smem:$0x3FFC];
	_ =	sdelay $0x3  }
0x94: {  	_ =	strace s3  }
0x95: {  	s3 =	sld [smem:$0x3FFD];
	_ =	sdelay $0x3  }
0x96: {  	_ =	strace s3  }
0x97: {  	_ =	strace $0x8FFFFFFF  }
0x98: {  	s19 =	sld [smem:$0x3FDB];
	_ =	sdelay $0x1  }
0x99: {  	s4 =	simm.s32 $_scs_section_size  }
0x9a: {  	s5 =	simm.s32 $_size__tile_overlayer_lowered;
	s6 =	simm.s32 $_tile_overlayer_lowered  }
0x9b: {  	s22 =	simm.s32 $0x1BFF;
	s21 =	sshll.u32 s6, $0x1;
	s3 =	sadd.s32 s4, s19  }
0x9c: {  	s7 =	simm.s32 $0x0;
	s20 =	sshll.u32 s5, $0x1;
	s5 =	sadd.s32 s21, s3  }
0x9d: {  	[timem:s7], [sflag:s22] =	dma.local [hbm:s5], s20  }
0x9e: {  	_ =	swait.ge [sflag:s22], s20  }
0x9f: {  	s4 =	ssub.s32 $0x0, s20;
	[sflag:s22] =	ssyncset.done $0x0  }
0xa0: {  	[sflag:s22] =	ssyncadd.s32 s4;
	_ =	sdelay $0x1  }
0xa1: {  	s23 =	simm.s32 $0x1B8B  }
0xa2: {  	_ =	swait.ge [sflag:s23], $0x1  }
0xa3: {  	[sflag:s23] =	ssyncset.done $0x0  }
0xa4: {  	s25 =	simm.s32 $0x1B8E;
	s24 =	sld [smem:$0x3FFE];
	[sflag:s23] =	ssyncadd.s32 $0xFFFFFFFF  }
0xa5: {  	s26 =	simm.s32 $execute0_lowered;
	[smem:$0x3FD2] =	sst s25  }
0xa6: {  	s5 =	sshll.u32 s26, $0x1;
	_ =	strace $0x80000046;
	[dreg:$0x1] =	wrdreg $0xFFFFFFFF  }
0xa7: {  	s28 =	simm.s32 $_size_execute0_lowered;
	s3 =	sadd.s32 s3, s5;
	[dreg:$0x0] =	wrdreg $0x0  }
0xa8: {  	s5 =	sshll.u32 s28, $0x1;
	[dreg:$0x2] =	wrdreg s3  }
0xa9: {  	[dreg:$0x3] =	wrdreg s5  }
0xaa: {  	[dreg:$0x4] =	wrdreg $0xC0  }
0xab: {  	_ =	task [dreg:s7], $0x5FFFF  }
0xac: {  	[dreg:$0x1] =	wrdreg $0xFFFFFFFF  }
0xad: {  	[dreg:$0x0] =	wrdreg $0x60  }
0xae: {  	[dreg:$0x2] =	wrdreg s24  }
0xaf: {  	[dreg:$0x3] =	wrdreg s2  }
0xb0: {  	[dreg:$0x4] =	wrdreg $0x0  }
0xb1: {  	[dreg:$0x5] =	wrdreg $0x6200  }
0xb2: {  	[dreg:$0x6] =	wrdreg $0x9  }
0xb3: {  	_ =	task.clear_ibuf [dreg:s7], $0x7FFFF;
	_ =	strace $0x90000046  }
0xb4: {  	s29 =	simm.s32 $0x9;
	_ =	strace $0x80000048  }
0xb5: {  	_ =	swait.ge [sflag:s29], $0x1  }
0xb6: {  	[sflag:s29] =	ssyncadd.s32 $0xFFFFFFFF  }
0xb7: {  	_ =	strace $0x90000048  }
0xb8: {  	_ =	sfence  }
0xb9: {  	s30 =	sld [smem:$0x0];
	_ =	sdelay $0x2  }
0xba: {  	s31 =	sshll.u32 s1, $0xD;
	s1 =	sshrl.u32 s1, $0x2  }
0xbb: {  	s3 =	sand.u32 $0x4000, s31;
	s1 =	sadd.s32 s1, s30  }
0xbc: {  	s0 =	sor.u32 s3, s0;
	s1 =	sshll.u32 s1, $0x11  }
0xbd: {  	s0 =	sor.u32 s1, s0  }
0xbe: {  	s0 =	sadd.s32 $0x8F2B, s0  }
0xbf: {  	[sflag:s0] =	ssyncadd.remote.s32 $0x1  }
0xc0: {  	_ =	sfence.sel $0xFFFF  }
0xc1: {  	[dreg:$0x0] =	wrdreg $0xFFFFFFFF;
	(pc) =	sbr.abs _section_cstart, $3  }
0xc2: {  	[dreg:$0x1] =	wrdreg $0xFFFFFFFF  }
0xc3: {  	_ =	task.clear_ibuf [dreg:s7], $0x2FFFF;
	_ =	strace $0x9FFFFFFF  }
0xc4: {  	(tm) =	ssettm $0x7FFFFFFF  }
0xc5: {  	_ =	shalt  }
tec
execute0_lowered:
.L_overlay_start_1:
0x0: {  	(tag) =	ssettag $0x1  }
0x1: {  	s8 =	rddreg [dreg:$0x0]  }
0x2: {  	s9 =	rddreg [dreg:$0x1];
	s0 =	srdreg.scid  }
0x3: {  	s10 =	stileid.u32;
	s1 =	rddreg [dreg:$0x2]  }
0x4: {  	s2 =	rddreg [dreg:$0x3];
	s3 =	simm.s32 $0x0;
	s14 =	simm.s32 $0xC40  }
0x5: {  	s15 =	simm.s32 $0x3;
	s16 =	simm.s32 $0x6DE8;
	s17 =	simm.s32 $0xCF90  }
0x6: {  	s18 =	simm.s32 $0x13138;
	s19 =	simm.s32 $0x1;
	s20 =	simm.s32 $0x1F740  }
0x7: {  	s21 =	simm.s32 $0x0;
	s4 =	sand.u32 $0x1, s0;
	s0 =	rddreg [dreg:$0x4]  }
0x8: {  	s31 =	sshll.u32 s10, $0x1;
	[smem:$0x7FF] =	sst s3;
	p0 =	sne.s32 s10, $0x0  }
0x9: {  	v0 =	vlaneseq.u32;
	s11 =	sor.u32 s4, s31;
	s6 =	ssub.s32 $0x2, s4;
	_ =	strace $0x80000047  }
0xa: {  	v0 =	vmul.u32 $0xC8, v0;
	s4 =	sadd.s32 $0x19200, s8;
	s13 =	sshrl.u32 @!p0 s2, $0x3;
	s7 =	sshrl.u32 s6, $0x1  }
0xb: {  	s5 =	smul.u32 $0xC80, s11;
	s11 =	sshll.u32 s11, $0x4;
	s12 =	ssub.s32 s6, s7  }
0xc: {  	v1 =	vadd.s32 $0xC80, v0;
	s6 =	sadd.s32 $0x19210, s8;
	s7 =	sadd.s32 $0x19220, s8;
	s9 =	sadd.s32 s9, s11  }
0xd: {  	v2 =	vadd.s32 $0x1900, v0;
	v3 =	vadd.s32 $0x2580, v0;
	v4 =	vadd.s32 $0x3200, v0;
	s11 =	simm.s32 $0x19340;
	s5 =	sadd.s32 s5, s8;
	s8 =	sadd.s32 $0x19230, s8  }
0xe: {  	v5 =	vadd.s32 $0x3E80, v0;
	v6 =	vadd.s32 $0x4B00, v0;
	v7 =	vadd.s32 $0x5780, v0;
	s10 =	smax.u32 s12, $0x1;
	s12 =	sshrl.u32 @!p0 s1, $0x3;
	s5 =	sadd.s32 $0x200, s5  }
.LBB2_1:
0xf: {  	[tilespmem:s11], [sflag:$0x1] =	stream.linear.gather [hbm4b:s5+s3], $0x6400, $0x38;
	[tilespmem:$0x1F7C0] =	vst v63  }
0x10: {  	s22 =	simm.s32 @!p0 $0x1;
	s23 =	simm.s32 @!p0 $0x10  }
0x11: {  	s24 =	simm.s32 @!p0 $0x40;
	s25 =	simm.s32 @!p0 $0x1C03;
	[bflag:$0x0] =	sbarrier.arrive @p0 $0xFFFF  }
0x12: {  	[spmem:s12@s23], [sflag:s25] =	dma.strided @!p0 [hbm:s4@s24], $0xC40, s22, $0x10   }
0x13: {  	s25 =	simm.s32 @!p0 $0x3  }
0x14: {  	_ =	swait.ge @!p0 [sflag:s25], $0xC40  }
0x15: {  	[sflag:s25] =	ssyncset.done @!p0 $0x0  }
0x16: {  	[sflag:s25] =	ssyncadd.s32 @!p0 $0xFFFFF3C0  }
0x17: {  	s25 =	simm.s32 @!p0 $0x1C02;
	[bflag:$0x0] =	sbarrier.arrive @!p0 $0xFFFF  }
0x18: {  	[spmem:s13@s23], [sflag:s25] =	dma.strided @!p0 [hbm:s6@s24], $0xC40, s22, $0x10   }
0x19: {  	[tilespmem:s14], [sflag:$0x3] =	stream.linear.gather [spmem:s1], $0x61A8, $0x38;
	[tilespmem:$0x1F7C0] =	vst v63  }
0x1a: {  	_ =	swait.ge [sflag:s15], $0x61A8  }
0x1b: {  	[sflag:s15] =	ssyncset.done $0x0  }
0x1c: {  	[sflag:s15] =	ssyncadd.s32 $0xFFFF9E58  }
0x1d: {  	s26 =	simm.s32 @!p0 $0x2;
	[bflag:$0x0] =	sbarrier.arrive @p0 $0xFFFF  }
0x1e: {  	_ =	swait.ge @!p0 [sflag:s26], $0xC40  }
0x1f: {  	[sflag:s26] =	ssyncset.done @!p0 $0x0  }
0x20: {  	[sflag:s26] =	ssyncadd.s32 @!p0 $0xFFFFF3C0  }
0x21: {  	[bflag:$0x0] =	sbarrier.arrive @!p0 $0xFFFF  }
0x22: {  	[spmem:s12@s23], [sflag:s25] =	dma.strided @!p0 [hbm:s7@s24], $0xC40, s22, $0x10   }
0x23: {  	[tilespmem:s16], [sflag:$0x3] =	stream.linear.gather [spmem:s2], $0x61A8, $0x38;
	[tilespmem:$0x1F7C0] =	vst v63  }
0x24: {  	_ =	swait.ge [sflag:s15], $0x61A8  }
0x25: {  	[sflag:s15] =	ssyncset.done $0x0  }
0x26: {  	[sflag:s15] =	ssyncadd.s32 $0xFFFF9E58  }
0x27: {  	[bflag:$0x0] =	sbarrier.arrive @p0 $0xFFFF  }
0x28: {  	_ =	swait.ge @!p0 [sflag:s26], $0xC40  }
0x29: {  	[sflag:s26] =	ssyncset.done @!p0 $0x0  }
0x2a: {  	[sflag:s26] =	ssyncadd.s32 @!p0 $0xFFFFF3C0  }
0x2b: {  	[bflag:$0x0] =	sbarrier.arrive @!p0 $0xFFFF  }
0x2c: {  	[spmem:s13@s23], [sflag:s25] =	dma.strided @!p0 [hbm:s8@s24], $0xC40, s22, $0x10   }
0x2d: {  	[tilespmem:s17], [sflag:$0x3] =	stream.linear.gather [spmem:s1], $0x61A8, $0x38;
	[tilespmem:$0x1F7C0] =	vst v63  }
0x2e: {  	_ =	swait.ge [sflag:s15], $0x61A8  }
0x2f: {  	[sflag:s15] =	ssyncset.done $0x0  }
0x30: {  	[sflag:s15] =	ssyncadd.s32 $0xFFFF9E58  }
0x31: {  	_ =	swait.ge @!p0 [sflag:s26], $0xC40  }
0x32: {  	[sflag:s26] =	ssyncset.done @!p0 $0x0  }
0x33: {  	[sflag:s26] =	ssyncadd.s32 @!p0 $0xFFFFF3C0  }
0x34: {  	[bflag:$0x0] =	sbarrier.arrive $0xFFFF  }
0x35: {  	[tilespmem:s18], [sflag:$0x3] =	stream.linear.gather [spmem:s2], $0x61A8, $0x38;
	[tilespmem:$0x1F7C0] =	vst v63  }
0x36: {  	_ =	swait.ge [sflag:s15], $0x61A8  }
0x37: {  	v8 =	vadd.s32 s3, v0;
	[sflag:s15] =	ssyncset.done $0x0  }
0x38: {  	v9 =	vadd.s32 s3, v1;
	[sflag:s15] =	ssyncadd.s32 $0xFFFF9E58  }
0x39: {  	v10 =	vadd.s32 s3, v2;
	_ =	swait.ge [sflag:s19], $0x6400  }
0x3a: {  	v11 =	vadd.s32 s3, v3;
	[sflag:s19] =	ssyncset.done $0x0  }
0x3b: {  	v12 =	vadd.s32 s3, v4;
	[sflag:s19] =	ssyncadd.s32 $0xFFFF9C00  }
0x3c: {  	v13 =	vadd.s32 s3, v5;
	s31 =	simm.s32 $0x1;
	v8 =	vld.idx.msk [tilespmem:v8+s11+$0x0], $0xffff  }
0x3d: {  	v15 =	vadd.s32 s31, v7;
	v16 =	vld.idx.msk [tilespmem:v9+s11+$0x0], $0xffff  }
0x3e: {  	v9 =	vadd.s32 s3, v6;
	v17 =	vld.idx.msk [tilespmem:v10+s11+$0x0], $0xffff  }
0x3f: {  	v10 =	vadd.s32 s3, v7;
	v18 =	vld.idx.msk [tilespmem:v11+s11+$0x0], $0xffff  }
0x40: {  	v11 =	vadd.s32 s31, v0;
	v19 =	vld.idx.msk [tilespmem:v12+s11+$0x0], $0xffff  }
0x41: {  	v12 =	vadd.s32 s31, v1;
	v20 =	vld.idx.msk [tilespmem:v13+s11+$0x0], $0xffff  }
0x42: {  	v13 =	vadd.s32 s31, v2;
	v21 =	vld.idx.msk [tilespmem:v15+s11+$0x0], $0xffff  }
0x43: {  	v22 =	vld.idx.msk [tilespmem:v9+s11+$0x0], $0xffff  }
0x44: {  	v9 =	vadd.s32 s31, v3;
	v23 =	vld.idx.msk [tilespmem:v10+s11+$0x0], $0xffff  }
0x45: {  	v10 =	vadd.s32 s31, v4;
	v25 =	vld.idx.msk [tilespmem:v11+s11+$0x0], $0xffff  }
0x46: {  	v26 =	vld.idx.msk [tilespmem:v12+s11+$0x0], $0xffff;
	v12 =	vadd.s32 s31, v6  }
0x47: {  	v11 =	vadd.s32 s31, v5;
	v28 =	vld.idx.msk [tilespmem:v13+s11+$0x0], $0xffff  }
0x48: {  	v31 =	vld.idx.msk [tilespmem:v8+s14+$0x0], $0xffff  }
0x49: {  	v30 =	vld.idx.msk [tilespmem:v9+s11+$0x0], $0xffff  }
0x4a: {  	v14 =	vimm.f32 $0.0e+00;
	v15 =	vimm.f32 $0.0e+00;
	v29 =	vld.idx.msk [tilespmem:v10+s11+$0x0], $0xffff  }
0x4b: {  	v13 =	vimm.f32 $0.0e+00;
	v8 =	vimm.f32 $0.0e+00;
	v24 =	vld.idx.msk [tilespmem:v12+s11+$0x0], $0xffff;
	v12 =	vimm.f32 $0.0e+00  }
0x4c: {  	s22 =	simm.s32 $0x2;
	v27 =	vld.idx.msk [tilespmem:v11+s11+$0x0], $0xffff;
	v10 =	vimm.f32 $0.0e+00;
	v11 =	vimm.f32 $0.0e+00;
	v9 =	vimm.f32 $0.0e+00  }
.LBB2_2:
0x4d: {  	p1 =	slt.u32 s22, $0xC6;
	v16 =	vld.idx.msk [tilespmem:v16+s14+$0x0], $0xffff  }
0x4e: {  	v17 =	vld.idx.msk [tilespmem:v17+s14+$0x0], $0xffff  }
0x4f: {  	v18 =	vld.idx.msk [tilespmem:v18+s14+$0x0], $0xffff  }
0x50: {  	v19 =	vld.idx.msk [tilespmem:v19+s14+$0x0], $0xffff  }
0x51: {  	v20 =	vld.idx.msk [tilespmem:v20+s14+$0x0], $0xffff  }
0x52: {  	v22 =	vld.idx.msk [tilespmem:v22+s14+$0x0], $0xffff  }
0x53: {  	v23 =	vld.idx.msk [tilespmem:v23+s14+$0x0], $0xffff  }
0x54: {  	v25 =	vld.idx.msk [tilespmem:v25+s14+$0x0], $0xffff  }
0x55: {  	v26 =	vld.idx.msk [tilespmem:v26+s14+$0x0], $0xffff  }
0x56: {  	v28 =	vld.idx.msk [tilespmem:v28+s14+$0x0], $0xffff  }
0x57: {  	v32 =	vadd.s32 s22, v0;
	v30 =	vld.idx.msk [tilespmem:v30+s14+$0x0], $0xffff  }
0x58: {  	v33 =	vadd.s32 s22, v1;
	v29 =	vld.idx.msk [tilespmem:v29+s14+$0x0], $0xffff  }
0x59: {  	v34 =	vadd.s32 s22, v2;
	v27 =	vld.idx.msk [tilespmem:v27+s14+$0x0], $0xffff  }
0x5a: {  	v35 =	vadd.s32 s22, v3;
	v13 =	vadd.f32 v31, v13;
	v14 =	vadd.f32 v16, v14;
	v24 =	vld.idx.msk [tilespmem:v24+s14+$0x0], $0xffff  }
0x5b: {  	v31 =	vadd.s32 s22, v4;
	v15 =	vadd.f32 v17, v15;
	v12 =	vadd.f32 v18, v12;
	v21 =	vld.idx.msk [tilespmem:v21+s14+$0x0], $0xffff  }
0x5c: {  	v36 =	vadd.s32 s22, v5;
	v13 =	vadd.f32 v25, v13;
	v14 =	vadd.f32 v26, v14;
	v32 =	vld.idx.msk [tilespmem:v32+s11+$0x0], $0xffff  }
0x5d: {  	v25 =	vadd.s32 s22, v6;
	v15 =	vadd.f32 v28, v15;
	v12 =	vadd.f32 v30, v12;
	v16 =	vld.idx.msk [tilespmem:v33+s11+$0x0], $0xffff  }
0x5e: {  	s23 =	sadd.s32 $0x1, s22;
	v10 =	vadd.f32 v19, v10;
	v11 =	vadd.f32 v20, v11;
	v26 =	vadd.s32 s22, v7;
	v17 =	vld.idx.msk [tilespmem:v34+s11+$0x0], $0xffff  }
0x5f: {  	v9 =	vadd.f32 v22, v9;
	v8 =	vadd.f32 v23, v8;
	v28 =	vadd.s32 s23, v0;
	v18 =	vld.idx.msk [tilespmem:v35+s11+$0x0], $0xffff  }
0x60: {  	v30 =	vadd.s32 s23, v1;
	v10 =	vadd.f32 v29, v10;
	v11 =	vadd.f32 v27, v11;
	v19 =	vld.idx.msk [tilespmem:v31+s11+$0x0], $0xffff  }
0x61: {  	v27 =	vadd.s32 s23, v2;
	v9 =	vadd.f32 v24, v9;
	v8 =	vadd.f32 v21, v8;
	v20 =	vld.idx.msk [tilespmem:v36+s11+$0x0], $0xffff  }
0x62: {  	v21 =	vadd.s32 s23, v3;
	v22 =	vld.idx.msk [tilespmem:v25+s11+$0x0], $0xffff  }
0x63: {  	v24 =	vadd.s32 s23, v4;
	v23 =	vld.idx.msk [tilespmem:v26+s11+$0x0], $0xffff  }
0x64: {  	v31 =	vadd.s32 s23, v5;
	v25 =	vld.idx.msk [tilespmem:v28+s11+$0x0], $0xffff  }
0x65: {  	v33 =	vadd.s32 s23, v6;
	v26 =	vld.idx.msk [tilespmem:v30+s11+$0x0], $0xffff  }
0x66: {  	v34 =	vadd.s32 s23, v7;
	v28 =	vld.idx.msk [tilespmem:v27+s11+$0x0], $0xffff  }
0x67: {  	v30 =	vld.idx.msk [tilespmem:v21+s11+$0x0], $0xffff  }
.Ltmp0:
0x68: {  	v29 =	vld.idx.msk [tilespmem:v24+s11+$0x0], $0xffff;
	(pc) =	sbr.rel @p1 .LBB2_2-.Ltmp0, $4  }
0x69: {  	v27 =	vld.idx.msk [tilespmem:v31+s11+$0x0], $0xffff  }
0x6a: {  	v24 =	vld.idx.msk [tilespmem:v33+s11+$0x0], $0xffff  }
0x6b: {  	v21 =	vld.idx.msk [tilespmem:v34+s11+$0x0], $0xffff  }
0x6c: {  	s22 =	sadd.s32 $0x2, s22;
	v31 =	vld.idx.msk [tilespmem:v32+s14+$0x0], $0xffff  }
0x6d: {  	_ =	sdelay $0x3  }
0x6e: {  	v16 =	vld.idx.msk [tilespmem:v16+s14+$0x0], $0xffff  }
0x6f: {  	v17 =	vld.idx.msk [tilespmem:v17+s14+$0x0], $0xffff  }
0x70: {  	v18 =	vld.idx.msk [tilespmem:v18+s14+$0x0], $0xffff  }
0x71: {  	v19 =	vld.idx.msk [tilespmem:v19+s14+$0x0], $0xffff  }
0x72: {  	v20 =	vld.idx.msk [tilespmem:v20+s14+$0x0], $0xffff  }
0x73: {  	v22 =	vld.idx.msk [tilespmem:v22+s14+$0x0], $0xffff  }
0x74: {  	v23 =	vld.idx.msk [tilespmem:v23+s14+$0x0], $0xffff  }
0x75: {  	v25 =	vld.idx.msk [tilespmem:v25+s14+$0x0], $0xffff  }
0x76: {  	v26 =	vld.idx.msk [tilespmem:v26+s14+$0x0], $0xffff  }
0x77: {  	v28 =	vld.idx.msk [tilespmem:v28+s14+$0x0], $0xffff  }
0x78: {  	v30 =	vld.idx.msk [tilespmem:v30+s14+$0x0], $0xffff;
	v13 =	vadd.f32 v31, v13  }
0x79: {  	v29 =	vld.idx.msk [tilespmem:v29+s14+$0x0], $0xffff;
	v14 =	vadd.f32 v16, v14  }
0x7a: {  	v27 =	vld.idx.msk [tilespmem:v27+s14+$0x0], $0xffff;
	v15 =	vadd.f32 v17, v15;
	v13 =	vadd.f32 v25, v13  }
0x7b: {  	v62 =	vld.idx.msk [tilespmem:v24+s14+$0x0], $0xffff;
	v12 =	vadd.f32 v18, v12;
	v14 =	vadd.f32 v26, v14  }
0x7c: {  	v63 =	vld.idx.msk [tilespmem:v21+s14+$0x0], $0xffff;
	v10 =	vadd.f32 v19, v10;
	v15 =	vadd.f32 v28, v15;
	[tilespmem:$0x1F740] =	vst v13  }
0x7d: {  	v11 =	vadd.f32 v20, v11;
	v12 =	vadd.f32 v30, v12;
	[tilespmem:$0x1F750] =	vst v14  }
0x7e: {  	v9 =	vadd.f32 v22, v9;
	v10 =	vadd.f32 v29, v10;
	[tilespmem:$0x1F760] =	vst v15  }
0x7f: {  	v8 =	vadd.f32 v23, v8;
	v11 =	vadd.f32 v27, v11;
	[tilespmem:$0x1F770] =	vst v12  }
0x80: {  	v9 =	vadd.f32 v62, v9;
	[tilespmem:$0x1F780] =	vst v10  }
0x81: {  	s21 =	sadd.s32 $0x1, s21;
	v8 =	vadd.f32 v63, v8;
	[tilespmem:$0x1F790] =	vst v11  }
0x82: {  	p1 =	sne.s32 s21, s10;
	[tilespmem:$0x1F7A0] =	vst v9  }
.Ltmp1:
0x83: {  	[tilespmem:$0x1F7B0] =	vst v8;
	(pc) =	sbr.rel @p1 .LBB2_1-.Ltmp1, $4  }
0x84: {  	[hbm4b:s9+s3] =	stream.linear.scatter [tilespmem:s20], [sflag:$0x3], $0x80, $0x38;
	[tilespmem:$0x1F7C0] =	vst v63  }
0x85: {  	_ =	swait.ge [sflag:s15], $0x80  }
0x86: {  	[sflag:s15] =	ssyncset.done $0x0  }
0x87: {  	[sflag:s15] =	ssyncadd.s32 $0xFFFFFF80  }
0x88: {  	_ =	sfence.sel $0x180000  }
0x89: {  	[bflag:$0x0] =	sbarrier.arrive $0xFFFF  }
0x8a: {  	_ =	strace $0x90000047  }
0x8b: {  	s0 =	sadd.s32 @!p0 $0x100000, s0;
	[bflag:$0x2] =	sbarrier.arrive $0xFFFF  }
0x8c: {  	[sflag:s0] =	ssyncadd.tile.s32 @!p0 $0x1;
	_ =	shalt  }
.Lfunc_end2:
_tile_overlayer_lowered:
.L_overlay_start_2:
0x8d: {  	(tag) =	ssettag $0x2  }
0x8e: {  	s0 =	rddreg [dreg:$0x0];
	s2 =	stileid.u32  }
0x8f: {  	s1 =	rddreg [dreg:$0x1];
	p0 =	sne.s32 s2, $0x0  }
0x90: {  	s3 =	rddreg [dreg:$0x2];
	[bflag:$0x3] =	sbarrier.arrive $0xFFFF;
	s2 =	simm.s32 @!p0 $0x1C03  }
0x91: {  	[timem:s3], [sflag:s2] =	dma.local @!p0 [hbm:s0], s1  }
0x92: {  	s0 =	simm.s32 @!p0 $0x3  }
0x93: {  	_ =	swait.ge @!p0 [sflag:s0], s1  }
0x94: {  	s1 =	ssub.s32 @!p0 $0x0, s1;
	[sflag:s0] =	ssyncset.done @!p0 $0x0  }
0x95: {  	[sflag:s0] =	ssyncadd.s32 @!p0 s1  }
0x96: {  	[bflag:$0x3] =	sbarrier.arrive $0xFFFF  }
0x97: {  	_ =	shalt  }

</sc_bundles>
